<compile_context>
chip_gen: v7x
topology: tpu7x:2x2x1
jax: 0.10.2.dev20260603
libtpu: 0.0.44.dev20260713+nightly
codegen_flags: <defaults>
</compile_context>

<pallas_src>
import functools

import jax
import jax.numpy as jnp
from jax import lax
from jax.experimental import pallas as pl
from jax.experimental.pallas import tpu as pltpu
from jax.experimental.pallas import tpu_sc as plsc

_VOCAB = 32
_NEG = -1e9
_POS = 1e9


def kernel(hidden, next_ids):
    del hidden
    B, T = next_ids.shape
    N = B * T
    ids = next_ids.reshape(N).astype(jnp.int32)

    info = plsc.get_sparse_core_info()
    NC, NS, L = info.num_cores, info.num_subcores, info.num_lanes
    NW = NC * NS
    nper = N // NW

    mesh = plsc.VectorSubcoreMesh(core_axis_name="c", subcore_axis_name="s")

    @functools.partial(
        pl.kernel,
        mesh=mesh,
        out_type=jax.ShapeDtypeStruct((B, _VOCAB, T), jnp.float32),
        scratch_types=[
            pltpu.VMEM((nper,), jnp.int32),
            pltpu.VMEM((_VOCAB, nper), jnp.float32),
            pltpu.SemaphoreType.DMA,
            pltpu.SemaphoreType.DMA,
        ],
        compiler_params=pltpu.CompilerParams(needs_layout_passes=False),
    )
    def sc_onehot(ids_hbm, out_hbm, idx_v, buf, sem_ids, sem_out):
        wid = lax.axis_index("s") * NC + lax.axis_index("c")
        base = wid * nper
        b = base // T
        t0 = base % T

        id_cp = pltpu.async_copy(ids_hbm.at[pl.ds(base, nper)], idx_v,
                                 sem_ids)

        neg = jnp.full((L,), _NEG, jnp.float32)
        lane = lax.iota(jnp.int32, L)
        pos = jnp.full((L,), _POS, jnp.float32)

        half = nper // 2
        j_per_half = half // (8 * L)

        def fill_body(i, c):
            v = i // j_per_half
            j = i % j_per_half
            col = c + (j * 8) * L
            for u in range(8):
                buf[v, pl.ds(col + u * L, L)] = neg
            return c

        def scat_body(g, c):
            tok = g * L
            v = idx_v[pl.ds(tok, L)]
            tgt = (v + 1) & (_VOCAB - 1)
            plsc.store_scatter(buf, [tgt, lane + tok], pos)
            return c

        cps = []
        for h in range(2):
            lax.fori_loop(0, _VOCAB * j_per_half, fill_body, h * half)
            if h == 0:
                id_cp.wait()
            lax.fori_loop(h * (half // L), (h + 1) * (half // L),
                          scat_body, 0)
            cps.append(
                pltpu.async_copy(
                    buf.at[:, pl.ds(h * half, half)],
                    out_hbm.at[b, :, pl.ds(t0 + h * half, half)],
                    sem_out,
                )
            )
        cps[0].wait()
        cps[1].wait()

    out_t = sc_onehot(ids)
    return jnp.swapaxes(out_t, 1, 2)

# --- scband reference (transcript-rebuilt; emitter-appended) ---
"""Pipeline reference for scband-toy-mtphead-5927054868638 (READ-ONLY COPY).

The authoritative reference and input builder live on the scoring server;
editing this copy changes nothing except your own understanding.
"""

import jax, jax.numpy as jnp
import numpy as np

VOCAB = 32

def setup_inputs(seed: int = 0) -> dict:
    key = jax.random.key(seed)
    k1, k2 = jax.random.split(key)
    hidden = jax.random.normal(k1, (4, 8192, 4096), dtype=jnp.float32)
    next_ids = jax.random.randint(k2, (4, 8192), 0, VOCAB, dtype=jnp.int64 if jax.config.jax_enable_x64 else jnp.int32)
    return {"hidden": hidden, "next_ids": next_ids}

def reference(hidden, next_ids):
    B, T = next_ids.shape
    logits = jnp.full((B, T, VOCAB), -1000000000.0, dtype=jnp.float32)
    targets = (next_ids + 1) % VOCAB
    b_idx = jnp.arange(B)[:, None]
    t_idx = jnp.arange(T)[None, :]
    logits = logits.at[b_idx, t_idx, targets].set(1000000000.0)
    return logits

if __name__ == "__main__":
    import jax
    _d = setup_inputs()
    print(jax.jit(kernel)(*tuple(_d.values())))

</pallas_src>

<mosaic_0001>
#map = affine_map<(d0, d1) -> (0)>
#map1 = affine_map<(d0, d1) -> (0, 0, 0)>
module attributes {stable_mosaic.version = 14 : i64} {
  func.func @sc_onehot(%arg0: i32, %arg1: i32, %arg2: memref<32768xi32, #tpu.memory_space<hbm>>, %arg3: memref<4x32x8192xf32, #tpu.memory_space<hbm>>, %arg4: memref<1024xi32, #tpu.memory_space<vmem>>, %arg5: memref<32x1024xf32, #tpu.memory_space<vmem>>, %arg6: memref<!tpu.dma_semaphore, #tpu.memory_space<semaphore_mem>>, %arg7: memref<!tpu.dma_semaphore, #tpu.memory_space<semaphore_mem>>) attributes {dimension_semantics = [#tpu.dimension_semantics<core_parallel>, #tpu.dimension_semantics<subcore_parallel>], iteration_bounds = array<i64: 2, 16>, scalar_prefetch = 0 : i64, scratch_operands = 4 : i64, tpu.core_type = #tpu.core_type<sc_vector_subcore>, window_params = [{transform_indices = #map}, {transform_indices = #map1}]} {
    %mul3A = arith.constant 2 : i32
    %mul3A_0 = arith.muli %arg1, %mul3A : i32
    %add3A = arith.addi %mul3A_0, %arg0 : i32
    %mul3A_1 = arith.constant 1024 : i32
    %mul3A_2 = arith.muli %add3A, %mul3A_1 : i32
    %jit3A = arith.constant 8192 : i32
    %div3A = arith.divsi %mul3A_2, %jit3A : i32
    %sign3A = arith.constant 0 : i32
    %sign3A_3 = arith.cmpi sgt, %mul3A_2, %sign3A : i32
    %sign3A_4 = arith.extui %sign3A_3 : i1 to i32
    %sign3A_5 = arith.constant 0 : i32
    %sign3A_6 = arith.cmpi slt, %mul3A_2, %sign3A_5 : i32
    %sign3A_7 = arith.extui %sign3A_6 : i1 to i32
    %sign3A_8 = arith.subi %sign3A_4, %sign3A_7 : i32
    %sign3A_9 = arith.constant 0 : i32
    %sign3A_10 = arith.cmpi sgt, %jit3A, %sign3A_9 : i32
    %sign3A_11 = arith.extui %sign3A_10 : i1 to i32
    %sign3A_12 = arith.constant 0 : i32
    %sign3A_13 = arith.cmpi slt, %jit3A, %sign3A_12 : i32
    %sign3A_14 = arith.extui %sign3A_13 : i1 to i32
    %sign3A_15 = arith.subi %sign3A_11, %sign3A_14 : i32
    %ne3A = arith.cmpi ne, %sign3A_8, %sign3A_15 : i32
    %rem3A = arith.remsi %mul3A_2, %jit3A : i32
    %ne3A_16 = arith.constant 0 : i32
    %ne3A_17 = arith.cmpi ne, %rem3A, %ne3A_16 : i32
    %and3A = arith.andi %ne3A, %ne3A_17 : i1
    %sub3A = arith.constant 1 : i32
    %sub3A_18 = arith.subi %div3A, %sub3A : i32
    %select_n3A = arith.select %and3A, %sub3A_18, %div3A : i32
    %jit3A_19 = arith.constant 8192 : i32
    %eq3A = arith.constant 0 : i32
    %eq3A_20 = arith.cmpi eq, %jit3A_19, %eq3A : i32
    %jit3A_21 = arith.constant 1 : i32
    %select_n3A_22 = arith.select %eq3A_20, %jit3A_21, %jit3A_19 : i32
    %rem3A_23 = arith.remsi %mul3A_2, %select_n3A_22 : i32
    %ne3A_24 = arith.constant 0 : i32
    %ne3A_25 = arith.cmpi ne, %rem3A_23, %ne3A_24 : i32
    %lt3A = arith.constant 0 : i32
    %lt3A_26 = arith.cmpi slt, %rem3A_23, %lt3A : i32
    %lt3A_27 = arith.constant 0 : i32
    %lt3A_28 = arith.cmpi slt, %select_n3A_22, %lt3A_27 : i32
    %ne3A_29 = arith.xori %lt3A_26, %lt3A_28 : i1
    %and3A_30 = arith.andi %ne3A_29, %ne3A_25 : i1
    %add3A_31 = arith.addi %rem3A_23, %select_n3A_22 : i32
    %select_n3A_32 = arith.select %and3A_30, %add3A_31, %rem3A_23 : i32
    %dma_start3A = tpu.memref_slice %arg2[%mul3A_2] : memref<32768xi32, #tpu.memory_space<hbm>> -> memref<1024xi32, #tpu.memory_space<hbm>>
    %dma_start3A_33 = tpu.memref_slice %arg2[%mul3A_2] : memref<32768xi32, #tpu.memory_space<hbm>> -> memref<1024xi32, #tpu.memory_space<hbm>>
    tpu.enqueue_dma source(%dma_start3A_33 : memref<1024xi32, #tpu.memory_space<hbm>>) target(%arg4 : memref<1024xi32, #tpu.memory_space<vmem>>) target_semaphore(%arg6 : memref<!tpu.dma_semaphore, #tpu.memory_space<semaphore_mem>>)
    %broadcast_in_dim3A = arith.constant -1.000000e+09 : f32
    %broadcast_in_dim3A_34 = vector.broadcast %broadcast_in_dim3A : f32 to vector<16xf32>
    %iota3A = tpu.iota {dimensions = array<i32: 0>} : vector<16xi32>
    %broadcast_in_dim3A_35 = arith.constant 1.000000e+09 : f32
    %broadcast_in_dim3A_36 = vector.broadcast %broadcast_in_dim3A_35 : f32 to vector<16xf32>
    %scan3A = arith.constant 0 : i32
    %scan3A_37 = arith.constant 0 : i32
    %scan3A_38 = arith.constant 128 : i32
    %scan3A_39 = arith.addi %scan3A_37, %scan3A_38 : i32
    %scan3A_40 = arith.constant 1 : i32
    scf.for %scan3A_113 = %scan3A_37 to %scan3A_39 step %scan3A_40  : i32 {
      %jit3A_114 = arith.constant 4 : i32
      %div3A_115 = arith.divsi %scan3A_113, %jit3A_114 : i32
      %sign3A_116 = arith.constant 0 : i32
      %sign3A_117 = arith.cmpi sgt, %scan3A_113, %sign3A_116 : i32
      %sign3A_118 = arith.extui %sign3A_117 : i1 to i32
      %sign3A_119 = arith.constant 0 : i32
      %sign3A_120 = arith.cmpi slt, %scan3A_113, %sign3A_119 : i32
      %sign3A_121 = arith.extui %sign3A_120 : i1 to i32
      %sign3A_122 = arith.subi %sign3A_118, %sign3A_121 : i32
      %sign3A_123 = arith.constant 0 : i32
      %sign3A_124 = arith.cmpi sgt, %jit3A_114, %sign3A_123 : i32
      %sign3A_125 = arith.extui %sign3A_124 : i1 to i32
      %sign3A_126 = arith.constant 0 : i32
      %sign3A_127 = arith.cmpi slt, %jit3A_114, %sign3A_126 : i32
      %sign3A_128 = arith.extui %sign3A_127 : i1 to i32
      %sign3A_129 = arith.subi %sign3A_125, %sign3A_128 : i32
      %ne3A_130 = arith.cmpi ne, %sign3A_122, %sign3A_129 : i32
      %rem3A_131 = arith.remsi %scan3A_113, %jit3A_114 : i32
      %ne3A_132 = arith.constant 0 : i32
      %ne3A_133 = arith.cmpi ne, %rem3A_131, %ne3A_132 : i32
      %and3A_134 = arith.andi %ne3A_130, %ne3A_133 : i1
      %sub3A_135 = arith.constant 1 : i32
      %sub3A_136 = arith.subi %div3A_115, %sub3A_135 : i32
      %select_n3A_137 = arith.select %and3A_134, %sub3A_136, %div3A_115 : i32
      %jit3A_138 = arith.constant 4 : i32
      %eq3A_139 = arith.constant 0 : i32
      %eq3A_140 = arith.cmpi eq, %jit3A_138, %eq3A_139 : i32
      %jit3A_141 = arith.constant 1 : i32
      %select_n3A_142 = arith.select %eq3A_140, %jit3A_141, %jit3A_138 : i32
      %rem3A_143 = arith.remsi %scan3A_113, %select_n3A_142 : i32
      %ne3A_144 = arith.constant 0 : i32
      %ne3A_145 = arith.cmpi ne, %rem3A_143, %ne3A_144 : i32
      %lt3A_146 = arith.constant 0 : i32
      %lt3A_147 = arith.cmpi slt, %rem3A_143, %lt3A_146 : i32
      %lt3A_148 = arith.constant 0 : i32
      %lt3A_149 = arith.cmpi slt, %select_n3A_142, %lt3A_148 : i32
      %ne3A_150 = arith.xori %lt3A_147, %lt3A_149 : i1
      %and3A_151 = arith.andi %ne3A_150, %ne3A_145 : i1
      %add3A_152 = arith.addi %rem3A_143, %select_n3A_142 : i32
      %select_n3A_153 = arith.select %and3A_151, %add3A_152, %rem3A_143 : i32
      %mul3A_154 = arith.constant 8 : i32
      %mul3A_155 = arith.muli %select_n3A_153, %mul3A_154 : i32
      %mul3A_156 = arith.constant 16 : i32
      %mul3A_157 = arith.muli %mul3A_155, %mul3A_156 : i32
      %add3A_158 = arith.addi %scan3A, %mul3A_157 : i32
      %add3A_159 = arith.constant 0 : i32
      %add3A_160 = arith.addi %add3A_158, %add3A_159 : i32
      %swap3A = arith.index_cast %select_n3A_137 : i32 to index
      %swap3A_161 = arith.index_cast %add3A_160 : i32 to index
      %swap3A_162 = tpu.vector_load %arg5[%swap3A, %swap3A_161] {strides = array<i32>} : memref<32x1024xf32, #tpu.memory_space<vmem>>, vector<16xf32>,
      tpu.vector_store %arg5[%swap3A, %swap3A_161], %broadcast_in_dim3A_34 {strides = array<i32>} : memref<32x1024xf32, #tpu.memory_space<vmem>>, vector<16xf32>,
      %add3A_163 = arith.constant 16 : i32
      %add3A_164 = arith.addi %add3A_158, %add3A_163 : i32
      %swap3A_165 = arith.index_cast %select_n3A_137 : i32 to index
      %swap3A_166 = arith.index_cast %add3A_164 : i32 to index
      %swap3A_167 = tpu.vector_load %arg5[%swap3A_165, %swap3A_166] {strides = array<i32>} : memref<32x1024xf32, #tpu.memory_space<vmem>>, vector<16xf32>,
      tpu.vector_store %arg5[%swap3A_165, %swap3A_166], %broadcast_in_dim3A_34 {strides = array<i32>} : memref<32x1024xf32, #tpu.memory_space<vmem>>, vector<16xf32>,
      %add3A_168 = arith.constant 32 : i32
      %add3A_169 = arith.addi %add3A_158, %add3A_168 : i32
      %swap3A_170 = arith.index_cast %select_n3A_137 : i32 to index
      %swap3A_171 = arith.index_cast %add3A_169 : i32 to index
      %swap3A_172 = tpu.vector_load %arg5[%swap3A_170, %swap3A_171] {strides = array<i32>} : memref<32x1024xf32, #tpu.memory_space<vmem>>, vector<16xf32>,
      tpu.vector_store %arg5[%swap3A_170, %swap3A_171], %broadcast_in_dim3A_34 {strides = array<i32>} : memref<32x1024xf32, #tpu.memory_space<vmem>>, vector<16xf32>,
      %add3A_173 = arith.constant 48 : i32
      %add3A_174 = arith.addi %add3A_158, %add3A_173 : i32
      %swap3A_175 = arith.index_cast %select_n3A_137 : i32 to index
      %swap3A_176 = arith.index_cast %add3A_174 : i32 to index
      %swap3A_177 = tpu.vector_load %arg5[%swap3A_175, %swap3A_176] {strides = array<i32>} : memref<32x1024xf32, #tpu.memory_space<vmem>>, vector<16xf32>,
      tpu.vector_store %arg5[%swap3A_175, %swap3A_176], %broadcast_in_dim3A_34 {strides = array<i32>} : memref<32x1024xf32, #tpu.memory_space<vmem>>, vector<16xf32>,
      %add3A_178 = arith.constant 64 : i32
      %add3A_179 = arith.addi %add3A_158, %add3A_178 : i32
      %swap3A_180 = arith.index_cast %select_n3A_137 : i32 to index
      %swap3A_181 = arith.index_cast %add3A_179 : i32 to index
      %swap3A_182 = tpu.vector_load %arg5[%swap3A_180, %swap3A_181] {strides = array<i32>} : memref<32x1024xf32, #tpu.memory_space<vmem>>, vector<16xf32>,
      tpu.vector_store %arg5[%swap3A_180, %swap3A_181], %broadcast_in_dim3A_34 {strides = array<i32>} : memref<32x1024xf32, #tpu.memory_space<vmem>>, vector<16xf32>,
      %add3A_183 = arith.constant 80 : i32
      %add3A_184 = arith.addi %add3A_158, %add3A_183 : i32
      %swap3A_185 = arith.index_cast %select_n3A_137 : i32 to index
      %swap3A_186 = arith.index_cast %add3A_184 : i32 to index
      %swap3A_187 = tpu.vector_load %arg5[%swap3A_185, %swap3A_186] {strides = array<i32>} : memref<32x1024xf32, #tpu.memory_space<vmem>>, vector<16xf32>,
      tpu.vector_store %arg5[%swap3A_185, %swap3A_186], %broadcast_in_dim3A_34 {strides = array<i32>} : memref<32x1024xf32, #tpu.memory_space<vmem>>, vector<16xf32>,
      %add3A_188 = arith.constant 96 : i32
      %add3A_189 = arith.addi %add3A_158, %add3A_188 : i32
      %swap3A_190 = arith.index_cast %select_n3A_137 : i32 to index
      %swap3A_191 = arith.index_cast %add3A_189 : i32 to index
      %swap3A_192 = tpu.vector_load %arg5[%swap3A_190, %swap3A_191] {strides = array<i32>} : memref<32x1024xf32, #tpu.memory_space<vmem>>, vector<16xf32>,
      tpu.vector_store %arg5[%swap3A_190, %swap3A_191], %broadcast_in_dim3A_34 {strides = array<i32>} : memref<32x1024xf32, #tpu.memory_space<vmem>>, vector<16xf32>,
      %add3A_193 = arith.constant 112 : i32
      %add3A_194 = arith.addi %add3A_158, %add3A_193 : i32
      %swap3A_195 = arith.index_cast %select_n3A_137 : i32 to index
      %swap3A_196 = arith.index_cast %add3A_194 : i32 to index
      %swap3A_197 = tpu.vector_load %arg5[%swap3A_195, %swap3A_196] {strides = array<i32>} : memref<32x1024xf32, #tpu.memory_space<vmem>>, vector<16xf32>,
      tpu.vector_store %arg5[%swap3A_195, %swap3A_196], %broadcast_in_dim3A_34 {strides = array<i32>} : memref<32x1024xf32, #tpu.memory_space<vmem>>, vector<16xf32>,
    }
    %scan3A_41 = arith.constant 128 : i32
    %dma_wait3A = tpu.memref_slice %arg2[%mul3A_2] : memref<32768xi32, #tpu.memory_space<hbm>> -> memref<1024xi32, #tpu.memory_space<hbm>>
    %dma_wait3A_42 = tpu.memref_slice %arg2[%mul3A_2] : memref<32768xi32, #tpu.memory_space<hbm>> -> memref<1024xi32, #tpu.memory_space<hbm>>
    tpu.wait_dma2 semaphore(%arg6 : memref<!tpu.dma_semaphore, #tpu.memory_space<semaphore_mem>>) src(%dma_wait3A_42 : memref<1024xi32, #tpu.memory_space<hbm>>) dst(%arg4 : memref<1024xi32, #tpu.memory_space<vmem>>)
    %scan3A_43 = arith.constant 0 : i32
    %scan3A_44 = arith.constant 0 : i32
    %scan3A_45 = arith.constant 32 : i32
    %scan3A_46 = arith.addi %scan3A_44, %scan3A_45 : i32
    %scan3A_47 = arith.constant 1 : i32
    scf.for %scan3A_113 = %scan3A_44 to %scan3A_46 step %scan3A_47  : i32 {
      %mul3A_114 = arith.constant 16 : i32
      %mul3A_115 = arith.muli %scan3A_113, %mul3A_114 : i32
      %get3A = arith.index_cast %mul3A_115 : i32 to index
      %get3A_116 = tpu.vector_load %arg4[%get3A] {strides = array<i32>} : memref<1024xi32, #tpu.memory_space<vmem>>, vector<16xi32>,
      %add3A_117 = arith.constant 1 : i32
      %add3A_118 = vector.broadcast %add3A_117 : i32 to vector<16xi32>
      %add3A_119 = arith.addi %get3A_116, %add3A_118 : vector<16xi32>
      %and3A_120 = arith.constant 31 : i32
      %and3A_121 = vector.broadcast %and3A_120 : i32 to vector<16xi32>
      %and3A_122 = arith.andi %add3A_119, %and3A_121 : vector<16xi32>
      %add3A_123 = vector.broadcast %mul3A_115 : i32 to vector<16xi32>
      %add3A_124 = arith.addi %iota3A, %add3A_123 : vector<16xi32>
      tpu.vector_store_idx %arg5[%and3A_122, %add3A_124], %broadcast_in_dim3A_36 : memref<32x1024xf32, #tpu.memory_space<vmem>>[vector<16xi32>, vector<16xi32>], vector<16xf32>,
    }
    %scan3A_48 = arith.constant 32 : i32
    %add3A_49 = arith.constant 0 : i32
    %add3A_50 = arith.addi %select_n3A_32, %add3A_49 : i32
    %dma_start3A_51 = arith.constant 0 : i32
    %dma_start3A_52 = arith.constant 0 : i32
    %dma_start3A_53 = tpu.memref_slice %arg5[%dma_start3A_51, %dma_start3A_52] : memref<32x1024xf32, #tpu.memory_space<vmem>> -> memref<32x512xf32, #tpu.memory_space<vmem>>
    %dma_start3A_54 = arith.constant 0 : i32
    %dma_start3A_55 = tpu.memref_slice %arg3[%select_n3A, %dma_start3A_54, %add3A_50] : memref<4x32x8192xf32, #tpu.memory_space<hbm>> -> memref<1x32x512xf32, #tpu.memory_space<hbm>>
    %dma_start3A_56 = tpu.memref_squeeze %dma_start3A_55 : memref<1x32x512xf32, #tpu.memory_space<hbm>> -> memref<32x512xf32, #tpu.memory_space<hbm>>
    %dma_start3A_57 = arith.constant 0 : i32
    %dma_start3A_58 = tpu.memref_slice %arg3[%select_n3A, %dma_start3A_57, %add3A_50] : memref<4x32x8192xf32, #tpu.memory_space<hbm>> -> memref<1x32x512xf32, #tpu.memory_space<hbm>>
    %dma_start3A_59 = tpu.memref_squeeze %dma_start3A_58 : memref<1x32x512xf32, #tpu.memory_space<hbm>> -> memref<32x512xf32, #tpu.memory_space<hbm>>
    %dma_start3A_60 = arith.constant 0 : i32
    %dma_start3A_61 = arith.constant 0 : i32
    %dma_start3A_62 = tpu.memref_slice %arg5[%dma_start3A_60, %dma_start3A_61] : memref<32x1024xf32, #tpu.memory_space<vmem>> -> memref<32x512xf32, #tpu.memory_space<vmem>>
    tpu.enqueue_dma source(%dma_start3A_62 : memref<32x512xf32, #tpu.memory_space<vmem>>) target(%dma_start3A_59 : memref<32x512xf32, #tpu.memory_space<hbm>>) target_semaphore(%arg7 : memref<!tpu.dma_semaphore, #tpu.memory_space<semaphore_mem>>)
    %scan3A_63 = arith.constant 512 : i32
    %scan3A_64 = arith.constant 0 : i32
    %scan3A_65 = arith.constant 128 : i32
    %scan3A_66 = arith.addi %scan3A_64, %scan3A_65 : i32
    %scan3A_67 = arith.constant 1 : i32
    scf.for %scan3A_113 = %scan3A_64 to %scan3A_66 step %scan3A_67  : i32 {
      %jit3A_114 = arith.constant 4 : i32
      %div3A_115 = arith.divsi %scan3A_113, %jit3A_114 : i32
      %sign3A_116 = arith.constant 0 : i32
      %sign3A_117 = arith.cmpi sgt, %scan3A_113, %sign3A_116 : i32
      %sign3A_118 = arith.extui %sign3A_117 : i1 to i32
      %sign3A_119 = arith.constant 0 : i32
      %sign3A_120 = arith.cmpi slt, %scan3A_113, %sign3A_119 : i32
      %sign3A_121 = arith.extui %sign3A_120 : i1 to i32
      %sign3A_122 = arith.subi %sign3A_118, %sign3A_121 : i32
      %sign3A_123 = arith.constant 0 : i32
      %sign3A_124 = arith.cmpi sgt, %jit3A_114, %sign3A_123 : i32
      %sign3A_125 = arith.extui %sign3A_124 : i1 to i32
      %sign3A_126 = arith.constant 0 : i32
      %sign3A_127 = arith.cmpi slt, %jit3A_114, %sign3A_126 : i32
      %sign3A_128 = arith.extui %sign3A_127 : i1 to i32
      %sign3A_129 = arith.subi %sign3A_125, %sign3A_128 : i32
      %ne3A_130 = arith.cmpi ne, %sign3A_122, %sign3A_129 : i32
      %rem3A_131 = arith.remsi %scan3A_113, %jit3A_114 : i32
      %ne3A_132 = arith.constant 0 : i32
      %ne3A_133 = arith.cmpi ne, %rem3A_131, %ne3A_132 : i32
      %and3A_134 = arith.andi %ne3A_130, %ne3A_133 : i1
      %sub3A_135 = arith.constant 1 : i32
      %sub3A_136 = arith.subi %div3A_115, %sub3A_135 : i32
      %select_n3A_137 = arith.select %and3A_134, %sub3A_136, %div3A_115 : i32
      %jit3A_138 = arith.constant 4 : i32
      %eq3A_139 = arith.constant 0 : i32
      %eq3A_140 = arith.cmpi eq, %jit3A_138, %eq3A_139 : i32
      %jit3A_141 = arith.constant 1 : i32
      %select_n3A_142 = arith.select %eq3A_140, %jit3A_141, %jit3A_138 : i32
      %rem3A_143 = arith.remsi %scan3A_113, %select_n3A_142 : i32
      %ne3A_144 = arith.constant 0 : i32
      %ne3A_145 = arith.cmpi ne, %rem3A_143, %ne3A_144 : i32
      %lt3A_146 = arith.constant 0 : i32
      %lt3A_147 = arith.cmpi slt, %rem3A_143, %lt3A_146 : i32
      %lt3A_148 = arith.constant 0 : i32
      %lt3A_149 = arith.cmpi slt, %select_n3A_142, %lt3A_148 : i32
      %ne3A_150 = arith.xori %lt3A_147, %lt3A_149 : i1
      %and3A_151 = arith.andi %ne3A_150, %ne3A_145 : i1
      %add3A_152 = arith.addi %rem3A_143, %select_n3A_142 : i32
      %select_n3A_153 = arith.select %and3A_151, %add3A_152, %rem3A_143 : i32
      %mul3A_154 = arith.constant 8 : i32
      %mul3A_155 = arith.muli %select_n3A_153, %mul3A_154 : i32
      %mul3A_156 = arith.constant 16 : i32
      %mul3A_157 = arith.muli %mul3A_155, %mul3A_156 : i32
      %add3A_158 = arith.addi %scan3A_63, %mul3A_157 : i32
      %add3A_159 = arith.constant 0 : i32
      %add3A_160 = arith.addi %add3A_158, %add3A_159 : i32
      %swap3A = arith.index_cast %select_n3A_137 : i32 to index
      %swap3A_161 = arith.index_cast %add3A_160 : i32 to index
      %swap3A_162 = tpu.vector_load %arg5[%swap3A, %swap3A_161] {strides = array<i32>} : memref<32x1024xf32, #tpu.memory_space<vmem>>, vector<16xf32>,
      tpu.vector_store %arg5[%swap3A, %swap3A_161], %broadcast_in_dim3A_34 {strides = array<i32>} : memref<32x1024xf32, #tpu.memory_space<vmem>>, vector<16xf32>,
      %add3A_163 = arith.constant 16 : i32
      %add3A_164 = arith.addi %add3A_158, %add3A_163 : i32
      %swap3A_165 = arith.index_cast %select_n3A_137 : i32 to index
      %swap3A_166 = arith.index_cast %add3A_164 : i32 to index
      %swap3A_167 = tpu.vector_load %arg5[%swap3A_165, %swap3A_166] {strides = array<i32>} : memref<32x1024xf32, #tpu.memory_space<vmem>>, vector<16xf32>,
      tpu.vector_store %arg5[%swap3A_165, %swap3A_166], %broadcast_in_dim3A_34 {strides = array<i32>} : memref<32x1024xf32, #tpu.memory_space<vmem>>, vector<16xf32>,
      %add3A_168 = arith.constant 32 : i32
      %add3A_169 = arith.addi %add3A_158, %add3A_168 : i32
      %swap3A_170 = arith.index_cast %select_n3A_137 : i32 to index
      %swap3A_171 = arith.index_cast %add3A_169 : i32 to index
      %swap3A_172 = tpu.vector_load %arg5[%swap3A_170, %swap3A_171] {strides = array<i32>} : memref<32x1024xf32, #tpu.memory_space<vmem>>, vector<16xf32>,
      tpu.vector_store %arg5[%swap3A_170, %swap3A_171], %broadcast_in_dim3A_34 {strides = array<i32>} : memref<32x1024xf32, #tpu.memory_space<vmem>>, vector<16xf32>,
      %add3A_173 = arith.constant 48 : i32
      %add3A_174 = arith.addi %add3A_158, %add3A_173 : i32
      %swap3A_175 = arith.index_cast %select_n3A_137 : i32 to index
      %swap3A_176 = arith.index_cast %add3A_174 : i32 to index
      %swap3A_177 = tpu.vector_load %arg5[%swap3A_175, %swap3A_176] {strides = array<i32>} : memref<32x1024xf32, #tpu.memory_space<vmem>>, vector<16xf32>,
      tpu.vector_store %arg5[%swap3A_175, %swap3A_176], %broadcast_in_dim3A_34 {strides = array<i32>} : memref<32x1024xf32, #tpu.memory_space<vmem>>, vector<16xf32>,
      %add3A_178 = arith.constant 64 : i32
      %add3A_179 = arith.addi %add3A_158, %add3A_178 : i32
      %swap3A_180 = arith.index_cast %select_n3A_137 : i32 to index
      %swap3A_181 = arith.index_cast %add3A_179 : i32 to index
      %swap3A_182 = tpu.vector_load %arg5[%swap3A_180, %swap3A_181] {strides = array<i32>} : memref<32x1024xf32, #tpu.memory_space<vmem>>, vector<16xf32>,
      tpu.vector_store %arg5[%swap3A_180, %swap3A_181], %broadcast_in_dim3A_34 {strides = array<i32>} : memref<32x1024xf32, #tpu.memory_space<vmem>>, vector<16xf32>,
      %add3A_183 = arith.constant 80 : i32
      %add3A_184 = arith.addi %add3A_158, %add3A_183 : i32
      %swap3A_185 = arith.index_cast %select_n3A_137 : i32 to index
      %swap3A_186 = arith.index_cast %add3A_184 : i32 to index
      %swap3A_187 = tpu.vector_load %arg5[%swap3A_185, %swap3A_186] {strides = array<i32>} : memref<32x1024xf32, #tpu.memory_space<vmem>>, vector<16xf32>,
      tpu.vector_store %arg5[%swap3A_185, %swap3A_186], %broadcast_in_dim3A_34 {strides = array<i32>} : memref<32x1024xf32, #tpu.memory_space<vmem>>, vector<16xf32>,
      %add3A_188 = arith.constant 96 : i32
      %add3A_189 = arith.addi %add3A_158, %add3A_188 : i32
      %swap3A_190 = arith.index_cast %select_n3A_137 : i32 to index
      %swap3A_191 = arith.index_cast %add3A_189 : i32 to index
      %swap3A_192 = tpu.vector_load %arg5[%swap3A_190, %swap3A_191] {strides = array<i32>} : memref<32x1024xf32, #tpu.memory_space<vmem>>, vector<16xf32>,
      tpu.vector_store %arg5[%swap3A_190, %swap3A_191], %broadcast_in_dim3A_34 {strides = array<i32>} : memref<32x1024xf32, #tpu.memory_space<vmem>>, vector<16xf32>,
      %add3A_193 = arith.constant 112 : i32
      %add3A_194 = arith.addi %add3A_158, %add3A_193 : i32
      %swap3A_195 = arith.index_cast %select_n3A_137 : i32 to index
      %swap3A_196 = arith.index_cast %add3A_194 : i32 to index
      %swap3A_197 = tpu.vector_load %arg5[%swap3A_195, %swap3A_196] {strides = array<i32>} : memref<32x1024xf32, #tpu.memory_space<vmem>>, vector<16xf32>,
      tpu.vector_store %arg5[%swap3A_195, %swap3A_196], %broadcast_in_dim3A_34 {strides = array<i32>} : memref<32x1024xf32, #tpu.memory_space<vmem>>, vector<16xf32>,
    }
    %scan3A_68 = arith.constant 128 : i32
    %scan3A_69 = arith.constant 0 : i32
    %scan3A_70 = arith.constant 32 : i32
    %scan3A_71 = arith.constant 32 : i32
    %scan3A_72 = arith.addi %scan3A_70, %scan3A_71 : i32
    %scan3A_73 = arith.constant 1 : i32
    scf.for %scan3A_113 = %scan3A_70 to %scan3A_72 step %scan3A_73  : i32 {
      %mul3A_114 = arith.constant 16 : i32
      %mul3A_115 = arith.muli %scan3A_113, %mul3A_114 : i32
      %get3A = arith.index_cast %mul3A_115 : i32 to index
      %get3A_116 = tpu.vector_load %arg4[%get3A] {strides = array<i32>} : memref<1024xi32, #tpu.memory_space<vmem>>, vector<16xi32>,
      %add3A_117 = arith.constant 1 : i32
      %add3A_118 = vector.broadcast %add3A_117 : i32 to vector<16xi32>
      %add3A_119 = arith.addi %get3A_116, %add3A_118 : vector<16xi32>
      %and3A_120 = arith.constant 31 : i32
      %and3A_121 = vector.broadcast %and3A_120 : i32 to vector<16xi32>
      %and3A_122 = arith.andi %add3A_119, %and3A_121 : vector<16xi32>
      %add3A_123 = vector.broadcast %mul3A_115 : i32 to vector<16xi32>
      %add3A_124 = arith.addi %iota3A, %add3A_123 : vector<16xi32>
      tpu.vector_store_idx %arg5[%and3A_122, %add3A_124], %broadcast_in_dim3A_36 : memref<32x1024xf32, #tpu.memory_space<vmem>>[vector<16xi32>, vector<16xi32>], vector<16xf32>,
    }
    %scan3A_74 = arith.constant 32 : i32
    %add3A_75 = arith.constant 512 : i32
    %add3A_76 = arith.addi %select_n3A_32, %add3A_75 : i32
    %dma_start3A_77 = arith.constant 0 : i32
    %dma_start3A_78 = arith.constant 512 : i32
    %dma_start3A_79 = tpu.memref_slice %arg5[%dma_start3A_77, %dma_start3A_78] : memref<32x1024xf32, #tpu.memory_space<vmem>> -> memref<32x512xf32, #tpu.memory_space<vmem>>
    %dma_start3A_80 = arith.constant 0 : i32
    %dma_start3A_81 = tpu.memref_slice %arg3[%select_n3A, %dma_start3A_80, %add3A_76] : memref<4x32x8192xf32, #tpu.memory_space<hbm>> -> memref<1x32x512xf32, #tpu.memory_space<hbm>>
    %dma_start3A_82 = tpu.memref_squeeze %dma_start3A_81 : memref<1x32x512xf32, #tpu.memory_space<hbm>> -> memref<32x512xf32, #tpu.memory_space<hbm>>
    %dma_start3A_83 = arith.constant 0 : i32
    %dma_start3A_84 = tpu.memref_slice %arg3[%select_n3A, %dma_start3A_83, %add3A_76] : memref<4x32x8192xf32, #tpu.memory_space<hbm>> -> memref<1x32x512xf32, #tpu.memory_space<hbm>>
    %dma_start3A_85 = tpu.memref_squeeze %dma_start3A_84 : memref<1x32x512xf32, #tpu.memory_space<hbm>> -> memref<32x512xf32, #tpu.memory_space<hbm>>
    %dma_start3A_86 = arith.constant 0 : i32
    %dma_start3A_87 = arith.constant 512 : i32
    %dma_start3A_88 = tpu.memref_slice %arg5[%dma_start3A_86, %dma_start3A_87] : memref<32x1024xf32, #tpu.memory_space<vmem>> -> memref<32x512xf32, #tpu.memory_space<vmem>>
    tpu.enqueue_dma source(%dma_start3A_88 : memref<32x512xf32, #tpu.memory_space<vmem>>) target(%dma_start3A_85 : memref<32x512xf32, #tpu.memory_space<hbm>>) target_semaphore(%arg7 : memref<!tpu.dma_semaphore, #tpu.memory_space<semaphore_mem>>)
    %dma_wait3A_89 = arith.constant 0 : i32
    %dma_wait3A_90 = arith.constant 0 : i32
    %dma_wait3A_91 = tpu.memref_slice %arg5[%dma_wait3A_89, %dma_wait3A_90] : memref<32x1024xf32, #tpu.memory_space<vmem>> -> memref<32x512xf32, #tpu.memory_space<vmem>>
    %dma_wait3A_92 = arith.constant 0 : i32
    %dma_wait3A_93 = tpu.memref_slice %arg3[%select_n3A, %dma_wait3A_92, %add3A_50] : memref<4x32x8192xf32, #tpu.memory_space<hbm>> -> memref<1x32x512xf32, #tpu.memory_space<hbm>>
    %dma_wait3A_94 = tpu.memref_squeeze %dma_wait3A_93 : memref<1x32x512xf32, #tpu.memory_space<hbm>> -> memref<32x512xf32, #tpu.memory_space<hbm>>
    %dma_wait3A_95 = arith.constant 0 : i32
    %dma_wait3A_96 = tpu.memref_slice %arg3[%select_n3A, %dma_wait3A_95, %add3A_50] : memref<4x32x8192xf32, #tpu.memory_space<hbm>> -> memref<1x32x512xf32, #tpu.memory_space<hbm>>
    %dma_wait3A_97 = tpu.memref_squeeze %dma_wait3A_96 : memref<1x32x512xf32, #tpu.memory_space<hbm>> -> memref<32x512xf32, #tpu.memory_space<hbm>>
    %dma_wait3A_98 = arith.constant 0 : i32
    %dma_wait3A_99 = arith.constant 0 : i32
    %dma_wait3A_100 = tpu.memref_slice %arg5[%dma_wait3A_98, %dma_wait3A_99] : memref<32x1024xf32, #tpu.memory_space<vmem>> -> memref<32x512xf32, #tpu.memory_space<vmem>>
    tpu.wait_dma2 semaphore(%arg7 : memref<!tpu.dma_semaphore, #tpu.memory_space<semaphore_mem>>) src(%dma_wait3A_100 : memref<32x512xf32, #tpu.memory_space<vmem>>) dst(%dma_wait3A_97 : memref<32x512xf32, #tpu.memory_space<hbm>>)
    %dma_wait3A_101 = arith.constant 0 : i32
    %dma_wait3A_102 = arith.constant 512 : i32
    %dma_wait3A_103 = tpu.memref_slice %arg5[%dma_wait3A_101, %dma_wait3A_102] : memref<32x1024xf32, #tpu.memory_space<vmem>> -> memref<32x512xf32, #tpu.memory_space<vmem>>
    %dma_wait3A_104 = arith.constant 0 : i32
    %dma_wait3A_105 = tpu.memref_slice %arg3[%select_n3A, %dma_wait3A_104, %add3A_76] : memref<4x32x8192xf32, #tpu.memory_space<hbm>> -> memref<1x32x512xf32, #tpu.memory_space<hbm>>
    %dma_wait3A_106 = tpu.memref_squeeze %dma_wait3A_105 : memref<1x32x512xf32, #tpu.memory_space<hbm>> -> memref<32x512xf32, #tpu.memory_space<hbm>>
    %dma_wait3A_107 = arith.constant 0 : i32
    %dma_wait3A_108 = tpu.memref_slice %arg3[%select_n3A, %dma_wait3A_107, %add3A_76] : memref<4x32x8192xf32, #tpu.memory_space<hbm>> -> memref<1x32x512xf32, #tpu.memory_space<hbm>>
    %dma_wait3A_109 = tpu.memref_squeeze %dma_wait3A_108 : memref<1x32x512xf32, #tpu.memory_space<hbm>> -> memref<32x512xf32, #tpu.memory_space<hbm>>
    %dma_wait3A_110 = arith.constant 0 : i32
    %dma_wait3A_111 = arith.constant 512 : i32
    %dma_wait3A_112 = tpu.memref_slice %arg5[%dma_wait3A_110, %dma_wait3A_111] : memref<32x1024xf32, #tpu.memory_space<vmem>> -> memref<32x512xf32, #tpu.memory_space<vmem>>
    tpu.wait_dma2 semaphore(%arg7 : memref<!tpu.dma_semaphore, #tpu.memory_space<semaphore_mem>>) src(%dma_wait3A_112 : memref<32x512xf32, #tpu.memory_space<vmem>>) dst(%dma_wait3A_109 : memref<32x512xf32, #tpu.memory_space<hbm>>)
    return
  }
}

</mosaic_0001>

<sc_bundles>
// kernel: kernel.3.cloned.1.call-start
scs
__scs_entry_jumppad:
0x0: {  	(pc) =	sbr.rel $0x88, $3  }
0x1: {  	(tag) =	ssettag $0x0;
	lr =	simm.s32 $0x1  }
0x2: {  	[smem:$0x3FA0] =	sst lr;
	_ =	strace $0xD0000000  }
0x3: {  	_ = 	snop  }
0x4: {  	_ = 	snop  }
0x5: {  	_ = 	snop  }
0x6: {  	_ = 	snop  }
0x7: {  	_ = 	snop  }
__scs_overlays_trampoline_lowered:
0x8: {  	[smem:$0x3FAF] =	sst s0  }
0x9: {  	[smem:$0x3FB0] =	sst s1  }
0xa: {  	[smem:$0x3FB1] =	sst s2  }
0xb: {  	[smem:$0x3FB2] =	sst s3  }
0xc: {  	[smem:$0x3FB3] =	sst s4  }
0xd: {  	[smem:$0x3FB4] =	sst s5  }
0xe: {  	[smem:$0x3FB5] =	sst s6  }
0xf: {  	[smem:$0x3FB6] =	sst s7  }
0x10: {  	[smem:$0x3FB7] =	sst s8  }
0x11: {  	[smem:$0x3FB8] =	sst s9;
	s0 =	simm.s32 @!p0 $0x0  }
0x12: {  	s1 =	sld [smem:$0x3F9E];
	s0 =	simm.s32 @p0 $0x1  }
0x13: {  	[smem:$0x3FB9] =	sst s0;
	s0 =	simm.s32 @!p1 $0x0  }
0x14: {  	s2 =	sld [smem:$0x3F9D];
	s0 =	simm.s32 @p1 $0x1  }
0x15: {  	[smem:$0x3FBA] =	sst s0;
	s0 =	simm.s32 @!p2 $0x0  }
0x16: {  	s3 =	sld [smem:$0x3FDB];
	s0 =	simm.s32 @p2 $0x1  }
0x17: {  	s4 =	simm.s32 $0x1BF5;
	[smem:$0x3FBC] =	sst s0  }
0x18: {  	s0 =	sld [smem:$0x3F9F];
	_ =	swait.ge [sflag:s4], $0x0  }
0x19: {  	s7 =	sld [smem:$0x3FA0]  }
0x1a: {  	s8 =	sadd.s32 $0xFFFFE003, lr  }
0x1b: {  	s9 =	sadd.s32 $0xFFFFFEF7, lr;
	s5 =	simm.s32 $0xFFFFFFFF;
	p2 =	slt.u32 s8, $0xFFFFF086  }
0x1c: {  	p1 =	slt.u32 s9, $0xF7A;
	s5 =	simm.s32 @!p2 $0x0  }
0x1d: {  	s5 =	simm.s32 @p1 $0x1;
	p0 =	seq.s32 s7, s2  }
0x1e: {  	s7 =	smul.u32 @!p0 $0xF7A, s2;
	p2 =	seq.s32 @!p0 s5, $0x0  }
0x1f: {  	s9 =	smul.u32 $0xF7A, s1;
	s8 =	simm.s32 @!p0 $0x1BF5;
	p2 =	por !p2, p0  }
0x20: {  	[sflag:s8] =	ssyncset.s32 @!p0 $0xFFFFF086;
	s6 =	sadd.s32 @!p0 s3, s7;
	s7 =	simm.s32 @!p0 $0x108  }
0x21: {  	s3 =	sadd.s32 s3, s9;
	s6 =	sadd.s32 @!p0 $0x88, s6;
	s7 =	simm.s32 @p2 $0x1082  }
0x22: {  	[simem:s7], [sflag:s8] =	dma.local @!p0 [hbm:s6], $0xF7A  }
0x23: {  	s9 =	sor.u32 $0xD0000000, s2;
	s6 =	simm.s32 $0x108;
	_ =	swait.ge @!p0 [sflag:s8], $0x0  }
0x24: {  	s3 =	sadd.s32 $0x88, s3;
	s6 =	simm.s32 @!p1 $0x1082;
	[sflag:s4] =	ssyncset.s32 $0xFFFFF086  }
0x25: {  	[simem:s6], [sflag:s4] =	dma.local [hbm:s3], $0xF7A  }
0x26: {  	[smem:$0x3FA0] =	sst s1;
	(tag) =	ssettag s2;
	_ =	strace s9  }
0x27: {  	s1 =	sld [smem:$0x3FB0]  }
0x28: {  	s2 =	sld [smem:$0x3FB1]  }
0x29: {  	s4 =	sld [smem:$0x3FB3]  }
0x2a: {  	p0 =	seq.s32 s5, $0x0;
	s5 =	sld [smem:$0x3FB4]  }
0x2b: {  	s6 =	sld [smem:$0x3FB5]  }
0x2c: {  	s7 =	sld [smem:$0x3FB6]  }
0x2d: {  	s3 =	simm.s32 $0x108;
	s8 =	sld [smem:$0x3FB7]  }
0x2e: {  	s3 =	simm.s32 @!p0 $0x1082;
	s9 =	sld [smem:$0x3FB8]  }
0x2f: {  	lr =	sadd.s32 s0, s3;
	s0 =	sld [smem:$0x3FAF]  }
0x30: {  	s3 =	sld [smem:$0x3FB2]  }
0x31: {  	[smem:$0x3FBB] =	sst s10  }
0x32: {  	s10 =	sld [smem:$0x3FB9];
	_ =	sdelay $0x3  }
0x33: {  	p0 =	seq.s32 s10, $0x1;
	s10 =	sld [smem:$0x3FBB];
	_ =	sdelay $0x3  }
0x34: {  	[smem:$0x3FBB] =	sst s10  }
0x35: {  	s10 =	sld [smem:$0x3FBA];
	_ =	sdelay $0x3  }
0x36: {  	p1 =	seq.s32 s10, $0x1;
	s10 =	sld [smem:$0x3FBB];
	_ =	sdelay $0x3  }
0x37: {  	[smem:$0x3FBB] =	sst s10  }
0x38: {  	s10 =	sld [smem:$0x3FBC]  }
0x39: {  	_ = 	snop;
	(pc) =	sbr.ind lr, $3  }
0x3a: {  	_ = 	snop  }
0x3b: {  	_ = 	snop  }
0x3c: {  	p2 =	seq.s32 s10, $0x1;
	s10 =	sld [smem:$0x3FBB]  }
0x3d: {  	_ =	shalt  }
0x3e: {  	_ =	shalt  }
0x3f: {  	_ =	shalt  }
0x40: {  	_ =	shalt  }
0x41: {  	_ =	shalt  }
0x42: {  	_ =	shalt  }
0x43: {  	_ =	shalt  }
0x44: {  	_ =	shalt  }
0x45: {  	_ =	shalt  }
0x46: {  	_ =	shalt  }
0x47: {  	_ =	shalt  }
0x48: {  	_ =	shalt  }
0x49: {  	_ =	shalt  }
0x4a: {  	_ =	shalt  }
0x4b: {  	_ =	shalt  }
0x4c: {  	_ =	shalt  }
0x4d: {  	_ =	shalt  }
0x4e: {  	_ =	shalt  }
0x4f: {  	_ =	shalt  }
0x50: {  	_ =	shalt  }
0x51: {  	_ =	shalt  }
0x52: {  	_ =	shalt  }
0x53: {  	_ =	shalt  }
0x54: {  	_ =	shalt  }
0x55: {  	_ =	shalt  }
0x56: {  	_ =	shalt  }
0x57: {  	_ =	shalt  }
0x58: {  	_ =	shalt  }
0x59: {  	_ =	shalt  }
0x5a: {  	_ =	shalt  }
0x5b: {  	_ =	shalt  }
0x5c: {  	_ =	shalt  }
0x5d: {  	_ =	shalt  }
0x5e: {  	_ =	shalt  }
0x5f: {  	_ =	shalt  }
0x60: {  	_ =	shalt  }
0x61: {  	_ =	shalt  }
0x62: {  	_ =	shalt  }
0x63: {  	_ =	shalt  }
0x64: {  	_ =	shalt  }
0x65: {  	_ =	shalt  }
0x66: {  	_ =	shalt  }
0x67: {  	_ =	shalt  }
0x68: {  	_ =	shalt  }
0x69: {  	_ =	shalt  }
0x6a: {  	_ =	shalt  }
0x6b: {  	_ =	shalt  }
0x6c: {  	_ =	shalt  }
0x6d: {  	_ =	shalt  }
0x6e: {  	_ =	shalt  }
0x6f: {  	_ =	shalt  }
0x70: {  	_ =	shalt  }
0x71: {  	_ =	shalt  }
0x72: {  	_ =	shalt  }
0x73: {  	_ =	shalt  }
0x74: {  	_ =	shalt  }
0x75: {  	_ =	shalt  }
0x76: {  	_ =	shalt  }
0x77: {  	_ =	shalt  }
0x78: {  	_ =	shalt  }
0x79: {  	_ =	shalt  }
0x7a: {  	_ =	shalt  }
0x7b: {  	_ =	shalt  }
0x7c: {  	_ =	shalt  }
0x7d: {  	_ =	shalt  }
0x7e: {  	_ =	shalt  }
0x7f: {  	_ =	shalt  }
0x80: {  	_ =	shalt  }
0x81: {  	_ =	shalt  }
0x82: {  	_ =	shalt  }
0x83: {  	_ =	shalt  }
0x84: {  	_ =	shalt  }
0x85: {  	_ =	shalt  }
0x86: {  	_ =	shalt  }
0x87: {  	_ =	shalt  }
.Lfunc_end0:
.L_simem_size_0:
called_computation_lowered:
.L_overlay_start_0:
0x88: {  	s2 =	sld [smem:$0x3FD9]  }
0x89: {  	s3 =	sld [smem:$0x3FFE];
	_ =	sdelay $0x1  }
0x8a: {  	s1 =	srdreg.scid  }
0x8b: {  	s0 =	sand.u32 $0x1, s1  }
0x8c: {  	s17 =	sshll.u32 s0, $0xA;
	s2 =	sadd.s32 s3, s2  }
0x8d: {  	s2 =	sadd.s32 s2, s17  }
0x8e: {  	[smem:$0x3FC7] =	sst s2  }
0x8f: {  	_ = 	snop  }
0x90: {  	s2 =	sld [smem:$0x3FD0];
	(tm) =	ssettm $0x1  }
0x91: {  	s18 =	sld [smem:$0x3FFB];
	_ =	sdelay $0x3  }
0x92: {  	_ =	strace s18  }
0x93: {  	s3 =	sld [smem:$0x3FFC];
	_ =	sdelay $0x3  }
0x94: {  	_ =	strace s3  }
0x95: {  	s3 =	sld [smem:$0x3FFD];
	_ =	sdelay $0x3  }
0x96: {  	_ =	strace s3  }
0x97: {  	_ =	strace $0x8FFFFFFF  }
0x98: {  	s19 =	sld [smem:$0x3FDB];
	_ =	sdelay $0x1  }
0x99: {  	s4 =	simm.s32 $_scs_section_size  }
0x9a: {  	s5 =	simm.s32 $_size__tile_overlayer_lowered;
	s6 =	simm.s32 $_tile_overlayer_lowered  }
0x9b: {  	s22 =	simm.s32 $0x1BFF;
	s21 =	sshll.u32 s6, $0x1;
	s3 =	sadd.s32 s4, s19  }
0x9c: {  	s7 =	simm.s32 $0x0;
	s20 =	sshll.u32 s5, $0x1;
	s5 =	sadd.s32 s21, s3  }
0x9d: {  	[timem:s7], [sflag:s22] =	dma.local [hbm:s5], s20  }
0x9e: {  	_ =	swait.ge [sflag:s22], s20  }
0x9f: {  	s4 =	ssub.s32 $0x0, s20;
	[sflag:s22] =	ssyncset.done $0x0  }
0xa0: {  	[sflag:s22] =	ssyncadd.s32 s4;
	_ =	sdelay $0x1  }
0xa1: {  	s23 =	simm.s32 $0x1B8B  }
0xa2: {  	_ =	swait.ge [sflag:s23], $0x1  }
0xa3: {  	[sflag:s23] =	ssyncset.done $0x0  }
0xa4: {  	s25 =	simm.s32 $0x1B8E;
	s24 =	sld [smem:$0x3FFE];
	[sflag:s23] =	ssyncadd.s32 $0xFFFFFFFF  }
0xa5: {  	s26 =	simm.s32 $execute0_lowered;
	[smem:$0x3FD2] =	sst s25  }
0xa6: {  	s5 =	sshll.u32 s26, $0x1;
	_ =	strace $0x80000046;
	[dreg:$0x1] =	wrdreg $0xFFFFFFFF  }
0xa7: {  	s28 =	simm.s32 $_size_execute0_lowered;
	s3 =	sadd.s32 s3, s5;
	[dreg:$0x0] =	wrdreg $0x0  }
0xa8: {  	s5 =	sshll.u32 s28, $0x1;
	[dreg:$0x2] =	wrdreg s3  }
0xa9: {  	[dreg:$0x3] =	wrdreg s5  }
0xaa: {  	[dreg:$0x4] =	wrdreg $0xC0  }
0xab: {  	_ =	task [dreg:s7], $0x5FFFF  }
0xac: {  	[dreg:$0x1] =	wrdreg $0xFFFFFFFF  }
0xad: {  	[dreg:$0x0] =	wrdreg $0x60  }
0xae: {  	[dreg:$0x2] =	wrdreg s24  }
0xaf: {  	[dreg:$0x3] =	wrdreg s2  }
0xb0: {  	[dreg:$0x4] =	wrdreg $0x9  }
0xb1: {  	_ =	task.clear_ibuf [dreg:s7], $0x5FFFF;
	_ =	strace $0x90000046  }
0xb2: {  	s29 =	simm.s32 $0x9;
	_ =	strace $0x80000048  }
0xb3: {  	_ =	swait.ge [sflag:s29], $0x1  }
0xb4: {  	[sflag:s29] =	ssyncadd.s32 $0xFFFFFFFF  }
0xb5: {  	_ =	strace $0x90000048  }
0xb6: {  	_ =	sfence  }
0xb7: {  	s30 =	sld [smem:$0x0];
	_ =	sdelay $0x2  }
0xb8: {  	s31 =	sshll.u32 s1, $0xD;
	s1 =	sshrl.u32 s1, $0x2  }
0xb9: {  	s3 =	sand.u32 $0x4000, s31;
	s1 =	sadd.s32 s1, s30  }
0xba: {  	s0 =	sor.u32 s3, s0;
	s1 =	sshll.u32 s1, $0x11  }
0xbb: {  	s0 =	sor.u32 s1, s0  }
0xbc: {  	s0 =	sadd.s32 $0x8F2B, s0  }
0xbd: {  	[sflag:s0] =	ssyncadd.remote.s32 $0x1  }
0xbe: {  	_ =	sfence.sel $0xFFFF  }
0xbf: {  	[dreg:$0x0] =	wrdreg $0xFFFFFFFF;
	(pc) =	sbr.abs _section_cstart, $3  }
0xc0: {  	[dreg:$0x1] =	wrdreg $0xFFFFFFFF  }
0xc1: {  	_ =	task.clear_ibuf [dreg:s7], $0x2FFFF;
	_ =	strace $0x9FFFFFFF  }
0xc2: {  	(tm) =	ssettm $0x7FFFFFFF  }
0xc3: {  	_ =	shalt  }
tec
execute0_lowered:
.L_overlay_start_1:
0x0: {  	(tag) =	ssettag $0x1  }
0x1: {  	s3 =	rddreg [dreg:$0x0]  }
0x2: {  	s4 =	rddreg [dreg:$0x1];
	s2 =	srdreg.scid  }
0x3: {  	s0 =	rddreg [dreg:$0x2];
	s1 =	stileid.u32  }
0x4: {  	s10 =	simm.s32 $0x2400;
	s12 =	simm.s32 $0x4400;
	s14 =	simm.s32 $0x6400  }
0x5: {  	s15 =	simm.s32 $0x1400;
	s16 =	simm.s32 $0x3400;
	s17 =	simm.s32 $0x5400  }
0x6: {  	s18 =	simm.s32 $0x7400;
	s19 =	simm.s32 $0x2;
	s20 =	simm.s32 $0x0  }
0x7: {  	s5 =	sand.u32 $0x1, s2;
	s2 =	simm.s32 $0x0;
	s6 =	sshll.u32 s1, $0xB  }
0x8: {  	s8 =	sshll.u32 s1, $0xD;
	s7 =	sshll.u32 s5, $0xA;
	[smem:$0x7FF] =	sst s2  }
0x9: {  	s5 =	ssub.s32 $0x2, s5;
	s8 =	sand.u32 $0x18000, s8;
	s6 =	sor.u32 s7, s6  }
0xa: {  	_ =	strace $0x80000047;
	s7 =	sshrl.u32 s6, $0x3;
	s6 =	sand.u32 $0x1C00, s6  }
0xb: {  	s29 =	sshrl.u32 s5, $0x1;
	s3 =	sadd.s32 s7, s3;
	s9 =	sor.u32 s6, s8  }
0xc: {  	s7 =	ssub.s32 s5, s29;
	s30 =	sadd.s32 s4, s6;
	s31 =	sadd.s32 s9, s4  }
0xd: {  	s3 =	sadd.s32 $0x400, s3;
	s4 =	sadd.s32 s8, s30;
	s6 =	smax.u32 s7, $0x1  }
0xe: {  	v0 =	vimm.f32 $-1.000000000e+09;
	s7 =	simm.s32 $0x1;
	s8 =	simm.s32 $0x400;
	s5 =	sadd.s32 $0x200, s31  }
0xf: {  	v1 =	vlaneseq.u32;
	v2 =	vimm.f32 $1.000000000e+09;
	s9 =	sadd.s32 $0x2000, s4;
	s11 =	sadd.s32 $0x4000, s4;
	s13 =	sadd.s32 $0x6000, s4  }
.LBB2_1:
0x10: {  	[tilespmem:s2], [sflag:$0x1] =	stream.linear.gather [hbm4b:s3+s2], $0x400, $0x38;
	[tilespmem:$0x8400] =	vst v63  }
0x11: {  	s21 =	sand.u32 $0x3000, s2;
	s22 =	simm.s32 $0x0  }
0x12: {  	s23 =	simm.s32 $0x0;
	s22 =	sand.u32 $0x6000, s22;
	s21 =	sshrl.u32 s21, $0x2  }
0x13: {  	s23 =	sand.u32 $0x380, s23;
	s21 =	sor.u32 s21, s22  }
0x14: {  	s21 =	sor.u32 s23, s21  }
0x15: {  	[tilespmem:s21+$0x470] =	vst v0  }
0x16: {  	[tilespmem:s21+$0x400] =	vst v0  }
0x17: {  	[tilespmem:s21+$0x410] =	vst v0  }
0x18: {  	s24 =	simm.s32 $0x20;
	s22 =	simm.s32 $0x1000;
	[tilespmem:s21+$0x420] =	vst v0  }
0x19: {  	s26 =	simm.s32 $0x100;
	s25 =	sand.u32 $0x3000, s22;
	s23 =	simm.s32 $0x2;
	[tilespmem:s21+$0x430] =	vst v0  }
.LBB2_2:
0x1a: {  	p0 =	sne.s32 s23, $0x7F;
	s26 =	sand.u32 $0x6000, s26;
	s25 =	sshrl.u32 s25, $0x2;
	[tilespmem:s21+$0x440] =	vst v0  }
0x1b: {  	s24 =	sand.u32 $0x380, s24;
	s25 =	sor.u32 s25, s26;
	[tilespmem:s21+$0x450] =	vst v0  }
0x1c: {  	[tilespmem:s21+$0x460] =	vst v0;
	s21 =	sor.u32 s24, s25  }
.Ltmp0:
0x1d: {  	[tilespmem:s21+$0x470] =	vst v0;
	(pc) =	sbr.rel @p0 .LBB2_2-.Ltmp0, $4  }
0x1e: {  	[tilespmem:s21+$0x400] =	vst v0  }
0x1f: {  	[tilespmem:s21+$0x410] =	vst v0  }
0x20: {  	s22 =	sadd.s32 $0x1000, s22;
	s24 =	sshll.u32 s23, $0x5;
	[tilespmem:s21+$0x420] =	vst v0  }
0x21: {  	s26 =	sshll.u32 s23, $0x8;
	s25 =	sand.u32 $0x3000, s22;
	s23 =	sadd.s32 $0x1, s23;
	[tilespmem:s21+$0x430] =	vst v0  }
0x22: {  	s22 =	sand.u32 $0x6000, s26;
	s23 =	sshrl.u32 s25, $0x2;
	[tilespmem:s21+$0x440] =	vst v0  }
0x23: {  	s24 =	sand.u32 $0x380, s24;
	[tilespmem:s21+$0x450] =	vst v0;
	s22 =	sor.u32 s23, s22  }
0x24: {  	[tilespmem:s21+$0x460] =	vst v0;
	s22 =	sor.u32 s24, s22  }
0x25: {  	[tilespmem:s22+$0x470] =	vst v0  }
0x26: {  	[tilespmem:s22+$0x400] =	vst v0  }
0x27: {  	[tilespmem:s22+$0x410] =	vst v0  }
0x28: {  	[tilespmem:s22+$0x420] =	vst v0  }
0x29: {  	[tilespmem:s22+$0x430] =	vst v0  }
0x2a: {  	[tilespmem:s22+$0x440] =	vst v0  }
0x2b: {  	[tilespmem:s22+$0x450] =	vst v0  }
0x2c: {  	[tilespmem:s22+$0x460] =	vst v0  }
0x2d: {  	_ =	swait.ge [sflag:s7], $0x400  }
0x2e: {  	[sflag:s7] =	ssyncset.done $0x0  }
0x2f: {  	s21 =	simm.s32 $0x0;
	[sflag:s7] =	ssyncadd.s32 $0xFFFFFC00  }
0x30: {  	s23 =	simm.s32 $0x0;
	s22 =	simm.s32 $0x10;
	v3 =	vld [tilespmem:s21+$0x0]  }
.LBB2_4:
0x31: {  	p0 =	sne.s32 s22, $0x1F0;
	_ =	sdelay $0x2  }
0x32: {  	v4 =	vmov s21  }
0x33: {  	v5 =	vor.u32 s21, v1;
	s21 =	smov.u32 s22;
	v4 =	vshll.u32 v4, $0x3;
	v3 =	vadd.s32 $0x1, v3  }
0x34: {  	v5 =	vand.u32 $0x7F, v5;
	v4 =	vand.u32 $0xC00, v4;
	v6 =	vshll.u32 v3, $0xA  }
0x35: {  	v4 =	vor.u32 v4, v5;
	v3 =	vshll.u32 v3, $0x7;
	v6 =	vand.u32 $0x6000, v6  }
0x36: {  	v3 =	vand.u32 $0x380, v3;
	v4 =	vor.u32 v6, v4  }
0x37: {  	v3 =	vor.u32 v3, v4;
	_ =	sdelay $0x1  }
.Ltmp1:
0x38: {  	(pc) =	sbr.rel @p0 .LBB2_4-.Ltmp1, $3  }
0x39: {  	_ =	sdelay $0x1  }
0x3a: {  	s23 =	sadd.s32 $0x10, s23;
	[tilespmem:v3+s8+$0x0] =	vst.idx.msk $0xffff, v2  }
0x3b: {  	s22 =	sadd.s32 $0x10, s22;
	v3 =	vld [tilespmem:s23+$0x0]  }
0x3c: {  	_ =	sdelay $0x2  }
0x3d: {  	v4 =	vmov s21  }
0x3e: {  	v5 =	vor.u32 s21, v1;
	v4 =	vshll.u32 v4, $0x3;
	v3 =	vadd.s32 $0x1, v3  }
0x3f: {  	v5 =	vand.u32 $0x7F, v5;
	v4 =	vand.u32 $0xC00, v4;
	v6 =	vshll.u32 v3, $0xA  }
0x40: {  	v4 =	vor.u32 v4, v5;
	v3 =	vshll.u32 v3, $0x7;
	v6 =	vand.u32 $0x6000, v6  }
0x41: {  	v3 =	vand.u32 $0x380, v3;
	v4 =	vor.u32 v6, v4  }
0x42: {  	v3 =	vor.u32 v3, v4;
	_ =	sdelay $0x3  }
0x43: {  	s31 =	simm.s32 $0x0  }
0x44: {  	s22 =	simm.s32 $0x0;
	s21 =	sand.u32 $0x3000, s31;
	[tilespmem:v3+s8+$0x0] =	vst.idx.msk $0xffff, v2  }
0x45: {  	[hbm4b:s4+s31] =	stream.linear.scatter [tilespmem:s8], [sflag:$0x2], $0x1000, $0x38;
	[tilespmem:$0x8400] =	vst v63  }
0x46: {  	s23 =	simm.s32 $0x0;
	s22 =	sand.u32 $0x6000, s22;
	s21 =	sshrl.u32 s21, $0x2  }
0x47: {  	[hbm4b:s9+s31] =	stream.linear.scatter [tilespmem:s10], [sflag:$0x2], $0x1000, $0x38;
	[tilespmem:$0x8400] =	vst v63  }
0x48: {  	s23 =	sand.u32 $0x380, s23;
	s21 =	sor.u32 s21, s22  }
0x49: {  	[hbm4b:s11+s31] =	stream.linear.scatter [tilespmem:s12], [sflag:$0x2], $0x1000, $0x38;
	[tilespmem:$0x8400] =	vst v63  }
0x4a: {  	s21 =	sor.u32 s23, s21  }
0x4b: {  	[hbm4b:s13+s31] =	stream.linear.scatter [tilespmem:s14], [sflag:$0x2], $0x1000, $0x38;
	[tilespmem:$0x8400] =	vst v63  }
0x4c: {  	[tilespmem:s21+$0x1470] =	vst v0  }
0x4d: {  	[tilespmem:s21+$0x1400] =	vst v0  }
0x4e: {  	[tilespmem:s21+$0x1410] =	vst v0  }
0x4f: {  	s24 =	simm.s32 $0x20;
	s22 =	simm.s32 $0x1000;
	[tilespmem:s21+$0x1420] =	vst v0  }
0x50: {  	s26 =	simm.s32 $0x100;
	s25 =	sand.u32 $0x3000, s22;
	s23 =	simm.s32 $0x2;
	[tilespmem:s21+$0x1430] =	vst v0  }
.LBB2_6:
0x51: {  	p0 =	sne.s32 s23, $0x7F;
	s26 =	sand.u32 $0x6000, s26;
	s25 =	sshrl.u32 s25, $0x2;
	[tilespmem:s21+$0x1440] =	vst v0  }
0x52: {  	s24 =	sand.u32 $0x380, s24;
	s25 =	sor.u32 s25, s26;
	[tilespmem:s21+$0x1450] =	vst v0  }
0x53: {  	[tilespmem:s21+$0x1460] =	vst v0;
	s21 =	sor.u32 s24, s25  }
.Ltmp2:
0x54: {  	[tilespmem:s21+$0x1470] =	vst v0;
	(pc) =	sbr.rel @p0 .LBB2_6-.Ltmp2, $4  }
0x55: {  	[tilespmem:s21+$0x1400] =	vst v0  }
0x56: {  	[tilespmem:s21+$0x1410] =	vst v0  }
0x57: {  	s22 =	sadd.s32 $0x1000, s22;
	s24 =	sshll.u32 s23, $0x5;
	[tilespmem:s21+$0x1420] =	vst v0  }
0x58: {  	s26 =	sshll.u32 s23, $0x8;
	s25 =	sand.u32 $0x3000, s22;
	s23 =	sadd.s32 $0x1, s23;
	[tilespmem:s21+$0x1430] =	vst v0  }
0x59: {  	s22 =	sand.u32 $0x6000, s26;
	s23 =	sshrl.u32 s25, $0x2;
	[tilespmem:s21+$0x1440] =	vst v0  }
0x5a: {  	s24 =	sand.u32 $0x380, s24;
	[tilespmem:s21+$0x1450] =	vst v0;
	s22 =	sor.u32 s23, s22  }
0x5b: {  	[tilespmem:s21+$0x1460] =	vst v0;
	s22 =	sor.u32 s24, s22  }
0x5c: {  	[tilespmem:s22+$0x1470] =	vst v0  }
0x5d: {  	[tilespmem:s22+$0x1400] =	vst v0  }
0x5e: {  	[tilespmem:s22+$0x1410] =	vst v0  }
0x5f: {  	[tilespmem:s22+$0x1420] =	vst v0  }
0x60: {  	[tilespmem:s22+$0x1430] =	vst v0  }
0x61: {  	[tilespmem:s22+$0x1440] =	vst v0  }
0x62: {  	[tilespmem:s22+$0x1450] =	vst v0  }
0x63: {  	s21 =	simm.s32 $0x200;
	[tilespmem:s22+$0x1460] =	vst v0  }
0x64: {  	s23 =	simm.s32 $0x200;
	s22 =	simm.s32 $0x210;
	v3 =	vld [tilespmem:s21+$0x0]  }
.LBB2_8:
0x65: {  	p0 =	sne.s32 s22, $0x3F0;
	_ =	sdelay $0x2  }
0x66: {  	v4 =	vmov s21  }
0x67: {  	v5 =	vor.u32 s21, v1;
	s21 =	smov.u32 s22;
	v4 =	vshll.u32 v4, $0x3;
	v3 =	vadd.s32 $0x1, v3  }
0x68: {  	v5 =	vand.u32 $0x7F, v5;
	v4 =	vand.u32 $0x1C00, v4;
	v6 =	vshll.u32 v3, $0xA  }
0x69: {  	v4 =	vor.u32 v4, v5;
	v3 =	vshll.u32 v3, $0x7;
	v6 =	vand.u32 $0x6000, v6  }
0x6a: {  	v3 =	vand.u32 $0x380, v3;
	v4 =	vor.u32 v6, v4  }
0x6b: {  	v3 =	vor.u32 v3, v4;
	_ =	sdelay $0x1  }
.Ltmp3:
0x6c: {  	(pc) =	sbr.rel @p0 .LBB2_8-.Ltmp3, $3  }
0x6d: {  	_ =	sdelay $0x1  }
0x6e: {  	s23 =	sadd.s32 $0x10, s23;
	[tilespmem:v3+s8+$0x0] =	vst.idx.msk $0xffff, v2  }
0x6f: {  	s22 =	sadd.s32 $0x10, s22;
	v3 =	vld [tilespmem:s23+$0x0]  }
0x70: {  	_ =	sdelay $0x2  }
0x71: {  	v4 =	vmov s21  }
0x72: {  	v5 =	vor.u32 s21, v1;
	v4 =	vshll.u32 v4, $0x3;
	v3 =	vadd.s32 $0x1, v3  }
0x73: {  	v5 =	vand.u32 $0x7F, v5;
	v4 =	vand.u32 $0x1C00, v4;
	v6 =	vshll.u32 v3, $0xA  }
0x74: {  	v4 =	vor.u32 v4, v5;
	v3 =	vshll.u32 v3, $0x7;
	v6 =	vand.u32 $0x6000, v6  }
0x75: {  	v3 =	vand.u32 $0x380, v3;
	v4 =	vor.u32 v6, v4  }
0x76: {  	v3 =	vor.u32 v3, v4;
	_ =	sdelay $0x4  }
0x77: {  	[tilespmem:v3+s8+$0x0] =	vst.idx.msk $0xffff, v2  }
0x78: {  	[hbm4b:s5+s2] =	stream.linear.scatter [tilespmem:s15], [sflag:$0x2], $0x1000, $0x38;
	[tilespmem:$0x8400] =	vst v63  }
0x79: {  	s29 =	sadd.s32 $0x2000, s5  }
0x7a: {  	[hbm4b:s29+s2] =	stream.linear.scatter [tilespmem:s16], [sflag:$0x2], $0x1000, $0x38;
	[tilespmem:$0x8400] =	vst v63  }
0x7b: {  	s30 =	sadd.s32 $0x4000, s5  }
0x7c: {  	[hbm4b:s30+s2] =	stream.linear.scatter [tilespmem:s17], [sflag:$0x2], $0x1000, $0x38;
	[tilespmem:$0x8400] =	vst v63  }
0x7d: {  	s31 =	sadd.s32 $0x6000, s5;
	s20 =	sadd.s32 $0x1, s20  }
0x7e: {  	[hbm4b:s31+s2] =	stream.linear.scatter [tilespmem:s18], [sflag:$0x2], $0x1000, $0x38;
	[tilespmem:$0x8400] =	vst v63  }
0x7f: {  	p0 =	sne.s32 s20, s6;
	_ =	swait.ge [sflag:s19], $0x4000  }
.Ltmp4:
0x80: {  	[sflag:s19] =	ssyncset.done $0x0;
	(pc) =	sbr.rel @p0 .LBB2_1-.Ltmp4, $4  }
0x81: {  	[sflag:s19] =	ssyncadd.s32 $0xFFFFC000  }
0x82: {  	_ =	swait.ge [sflag:s19], $0x4000  }
0x83: {  	[sflag:s19] =	ssyncset.done $0x0  }
0x84: {  	[sflag:s19] =	ssyncadd.s32 $0xFFFFC000  }
0x85: {  	_ =	sfence.sel $0x180000  }
0x86: {  	[bflag:$0x0] =	sbarrier.arrive $0xFFFF  }
0x87: {  	p0 =	sne.s32 s1, $0x0;
	_ =	strace $0x90000047  }
0x88: {  	s0 =	sadd.s32 @!p0 $0x100000, s0;
	[bflag:$0x2] =	sbarrier.arrive $0xFFFF  }
0x89: {  	[sflag:s0] =	ssyncadd.tile.s32 @!p0 $0x1;
	_ =	shalt  }
.Lfunc_end2:
_tile_overlayer_lowered:
.L_overlay_start_2:
0x8a: {  	(tag) =	ssettag $0x2  }
0x8b: {  	s0 =	rddreg [dreg:$0x0];
	s2 =	stileid.u32  }
0x8c: {  	s1 =	rddreg [dreg:$0x1];
	p0 =	sne.s32 s2, $0x0  }
0x8d: {  	s3 =	rddreg [dreg:$0x2];
	[bflag:$0x3] =	sbarrier.arrive $0xFFFF;
	s2 =	simm.s32 @!p0 $0x1C03  }
0x8e: {  	[timem:s3], [sflag:s2] =	dma.local @!p0 [hbm:s0], s1  }
0x8f: {  	s0 =	simm.s32 @!p0 $0x3  }
0x90: {  	_ =	swait.ge @!p0 [sflag:s0], s1  }
0x91: {  	s1 =	ssub.s32 @!p0 $0x0, s1;
	[sflag:s0] =	ssyncset.done @!p0 $0x0  }
0x92: {  	[sflag:s0] =	ssyncadd.s32 @!p0 s1  }
0x93: {  	[bflag:$0x3] =	sbarrier.arrive $0xFFFF  }
0x94: {  	_ =	shalt  }

</sc_bundles>
